<compile_context>
chip_gen: v7x
topology: tpu7x:2x2x1
jax: 0.10.2.dev20260603
libtpu: 0.0.44.dev20260713+nightly
codegen_flags: <defaults>
</compile_context>

<pallas_src>
import functools

import jax
import jax.numpy as jnp
from jax import lax
from jax.experimental import pallas as pl
from jax.experimental.pallas import tpu as pltpu
from jax.experimental.pallas import tpu_sc as plsc

_B = 1024
_D = 64
_N = 100000
_INV_TEMP = 20.0
_SHIFT = 20.0
_TILE = 4000
_STEPS = _N // _TILE
_LOG2E = 1.4426950408889634
_C = _SHIFT * _LOG2E

_NC = 2
_NS = 16
_NW = _NC * _NS
_BPW = _B // _NW


def _sc_gather_blocks(table, idx):
    mesh = plsc.ScalarSubcoreMesh(axis_name="c", num_cores=_NC)
    bpc = _B // _NC

    @functools.partial(
        pl.kernel,
        mesh=mesh,
        out_type=jax.ShapeDtypeStruct((8 * _B, _D), jnp.bfloat16),
        scratch_types=[
            pltpu.SMEM((bpc,), jnp.int32),
            pltpu.SemaphoreType.DMA,
        ],
    )
    def gather_k(table_hbm, idx_hbm, out_hbm, idx_s, sem):
        base = lax.axis_index("c") * bpc
        pltpu.async_copy(idx_hbm.at[pl.ds(base, bpc)], idx_s, sem).wait()

        @pl.loop(0, bpc)
        def _(i):
            tb = pl.multiple_of((idx_s[i] >> 3) << 3, 8)
            pltpu.async_copy(table_hbm.at[pl.ds(tb, 8)],
                             out_hbm.at[pl.ds((base + i) * 8, 8)], sem)

        @pl.loop(0, bpc)
        def _(i):
            pltpu.make_async_copy(table_hbm.at[pl.ds(0, 8)],
                                  out_hbm.at[pl.ds(0, 8)], sem).wait()

    return gather_k(table, idx)


def _tc_main_kernel(x_ref, f_ref, s_ref, xs_ref):
    k = pl.program_id(0)

    @pl.when(k == 0)
    def _():
        x = x_ref[...]
        nrm = jnp.sqrt(jnp.sum(x * x, axis=1, keepdims=True))
        xn = x / jnp.maximum(nrm, 1e-12)
        xs_ref[...] = (xn * (_INV_TEMP * _LOG2E)).astype(jnp.bfloat16)
        s_ref[...] = jnp.zeros_like(s_ref)

    logits2 = lax.dot_general(
        xs_ref[...], f_ref[...],
        (((1,), (1,)), ((), ())),
        preferred_element_type=jnp.float32)
    s_ref[...] += jnp.sum(jnp.exp2(logits2 - _C), axis=1, keepdims=True)


def _tc_main(inputs, features, interpret=False):
    return pl.pallas_call(
        _tc_main_kernel,
        grid=(_STEPS,),
        in_specs=[
            pl.BlockSpec((_B, _D), lambda k: (0, 0)),
            pl.BlockSpec((_TILE, _D), lambda k: (k, 0)),
        ],
        out_specs=pl.BlockSpec((_B, 1), lambda k: (0, 0)),
        out_shape=jax.ShapeDtypeStruct((_B, 1), jnp.float32),
        scratch_shapes=[
            pltpu.VMEM((_B, _D), jnp.bfloat16),
        ],
        compiler_params=pltpu.CompilerParams(
            dimension_semantics=("arbitrary",)),
        interpret=interpret,
    )(inputs, features)


def _tc_combine_kernel(x_ref, g_ref, t_ref, s_ref, out_ref):
    x = x_ref[...]
    nrm = jnp.sqrt(jnp.sum(x * x, axis=1, keepdims=True))
    xn = x / jnp.maximum(nrm, 1e-12)
    blocks = jnp.reshape(g_ref[...].astype(jnp.float32), (_B, 8, _D))
    r = jnp.reshape(t_ref[...] & 7, (_B, 1, 1))
    sub = lax.broadcasted_iota(jnp.int32, (_B, 8, 1), 1)
    g = jnp.sum(jnp.where(sub == r, blocks, 0.0), axis=1)
    tgt = jnp.sum(xn * g, axis=1, keepdims=True) * _INV_TEMP
    nll = _SHIFT + jnp.log(s_ref[...]) - tgt
    out_ref[0, 0] = jnp.sum(nll) * (1.0 / _B)


def _tc_combine(inputs, gathered_blocks, targets, s, interpret=False):
    return pl.pallas_call(
        _tc_combine_kernel,
        out_specs=pl.BlockSpec(memory_space=pltpu.SMEM),
        out_shape=jax.ShapeDtypeStruct((1, 1), jnp.float32),
        interpret=interpret,
    )(inputs, gathered_blocks, targets, s)


def kernel(inputs, targets, features):
    idx = targets.astype(jnp.int32)
    features_bf = features.astype(jnp.bfloat16)
    gathered_blocks = _sc_gather_blocks(features_bf, idx)
    s = _tc_main(inputs, features_bf)
    out = _tc_combine(inputs, gathered_blocks, idx, s)
    return out[0, 0]

# --- scband reference (transcript-rebuilt; emitter-appended) ---
"""Pipeline reference for scband-cluster-memory-3556232921140 (READ-ONLY COPY).

The authoritative reference and input builder live on the scoring server;
editing this copy changes nothing except your own understanding.
"""

import jax, jax.numpy as jnp
import numpy as np

NUM_FEATURES = 64
NUM_SAMPLES = 100000
BATCH = 1024
TEMP = 0.05


def setup_inputs(seed: int = 0) -> dict:
    key = jax.random.key(seed)
    k1, k2, k3 = jax.random.split(key, 3)
    inputs = jax.random.normal(k1, (BATCH, NUM_FEATURES), dtype=jnp.float32)
    targets = jax.random.randint(k2, (BATCH,), 0, NUM_SAMPLES, dtype=jnp.int64 if jax.config.jax_enable_x64 else jnp.int32)
    # features is the cluster-memory buffer (registered buffer, zeros in torch;
    # initialized to normalized random vectors here so logits are non-degenerate)
    features = jax.random.normal(k3, (NUM_SAMPLES, NUM_FEATURES), dtype=jnp.float32)
    features = features / jnp.clip(jnp.linalg.norm(features, axis=1, keepdims=True), 1e-12)
    return {"inputs": inputs, "targets": targets, "features": features}


def reference(inputs, targets, features):
    # F.normalize(inputs, dim=1)
    x = inputs / jnp.clip(jnp.linalg.norm(inputs, axis=1, keepdims=True), 1e-12)
    # CM.forward: outputs = inputs.mm(features.t())
    logits = x @ features.T
    # outputs /= self.temp
    logits = logits / TEMP
    # nn.CrossEntropyLoss() (mean reduction)
    logp = jax.nn.log_softmax(logits, axis=1)
    nll = -jnp.take_along_axis(logp, targets[:, None].astype(jnp.int32), axis=1)[:, 0]
    loss = jnp.mean(nll)
    return loss

if __name__ == "__main__":
    import jax
    _d = setup_inputs()
    print(jax.jit(kernel)(*tuple(_d.values())))

</pallas_src>

<mosaic_0001>
#map = affine_map<(d0) -> (0, 0)>
#map1 = affine_map<(d0) -> (0)>
module attributes {stable_mosaic.version = 14 : i64} {
  func.func @gather_k(%arg0: i32, %arg1: memref<100000x64xbf16, #tpu.memory_space<hbm>>, %arg2: memref<1024xi32, #tpu.memory_space<hbm>>, %arg3: memref<8192x64xbf16, #tpu.memory_space<hbm>>, %arg4: memref<512xi32, #tpu.memory_space<smem>>, %arg5: memref<!tpu.dma_semaphore, #tpu.memory_space<semaphore_mem>>) attributes {dimension_semantics = [#tpu.dimension_semantics<core_parallel>], iteration_bounds = array<i64: 2>, scalar_prefetch = 0 : i64, scratch_operands = 2 : i64, tpu.core_type = #tpu.core_type<sc_scalar_subcore>, window_params = [{transform_indices = #map}, {transform_indices = #map1}, {transform_indices = #map}]} {
    %mul3A = arith.constant 512 : i32
    %mul3A_0 = arith.muli %arg0, %mul3A : i32
    %dma_start3A = tpu.memref_slice %arg2[%mul3A_0] : memref<1024xi32, #tpu.memory_space<hbm>> -> memref<512xi32, #tpu.memory_space<hbm>>
    tpu.enqueue_dma source(%dma_start3A : memref<512xi32, #tpu.memory_space<hbm>>) target(%arg4 : memref<512xi32, #tpu.memory_space<smem>>) target_semaphore(%arg5 : memref<!tpu.dma_semaphore, #tpu.memory_space<semaphore_mem>>)
    %dma_wait3A = tpu.memref_slice %arg2[%mul3A_0] : memref<1024xi32, #tpu.memory_space<hbm>> -> memref<512xi32, #tpu.memory_space<hbm>>
    tpu.wait_dma2 semaphore(%arg5 : memref<!tpu.dma_semaphore, #tpu.memory_space<semaphore_mem>>) src(%dma_wait3A : memref<512xi32, #tpu.memory_space<hbm>>) dst(%arg4 : memref<512xi32, #tpu.memory_space<smem>>)
    %scan3A = arith.constant 0 : i32
    %scan3A_1 = arith.constant 512 : i32
    %scan3A_2 = arith.addi %scan3A, %scan3A_1 : i32
    %scan3A_3 = arith.constant 1 : i32
    scf.for %scan3A_10 = %scan3A to %scan3A_2 step %scan3A_3  : i32 {
      %mul3A_11 = arith.constant 1 : i32
      %mul3A_12 = arith.muli %scan3A_10, %mul3A_11 : i32
      %add3A = arith.constant 0 : i32
      %add3A_13 = arith.addi %add3A, %mul3A_12 : i32
      %get3A = arith.index_cast %add3A_13 : i32 to index
      %get3A_14 = memref.load %arg4[%get3A] : memref<512xi32, #tpu.memory_space<smem>>
      %shift_right_arithmetic3A = arith.constant 3 : i32
      %shift_right_arithmetic3A_15 = arith.shrsi %get3A_14, %shift_right_arithmetic3A : i32
      %shift_left3A = arith.constant 3 : i32
      %shift_left3A_16 = arith.shli %shift_right_arithmetic3A_15, %shift_left3A : i32
      %multiple_of3A = tpu.assume_multiple %shift_left3A_16, 8 : i32
      %add3A_17 = arith.addi %mul3A_0, %add3A_13 : i32
      %mul3A_18 = arith.constant 8 : i32
      %mul3A_19 = arith.muli %add3A_17, %mul3A_18 : i32
      %dma_start3A_20 = arith.constant 0 : i32
      %dma_start3A_21 = tpu.memref_slice %arg3[%mul3A_19, %dma_start3A_20] : memref<8192x64xbf16, #tpu.memory_space<hbm>> -> memref<8x64xbf16, #tpu.memory_space<hbm>>
      %dma_start3A_22 = arith.constant 0 : i32
      %dma_start3A_23 = tpu.memref_slice %arg1[%multiple_of3A, %dma_start3A_22] : memref<100000x64xbf16, #tpu.memory_space<hbm>> -> memref<8x64xbf16, #tpu.memory_space<hbm>>
      tpu.enqueue_dma source(%dma_start3A_23 : memref<8x64xbf16, #tpu.memory_space<hbm>>) target(%dma_start3A_21 : memref<8x64xbf16, #tpu.memory_space<hbm>>) target_semaphore(%arg5 : memref<!tpu.dma_semaphore, #tpu.memory_space<semaphore_mem>>)
    }
    %scan3A_4 = arith.constant 512 : i32
    %scan3A_5 = arith.constant 0 : i32
    %scan3A_6 = arith.constant 512 : i32
    %scan3A_7 = arith.addi %scan3A_5, %scan3A_6 : i32
    %scan3A_8 = arith.constant 1 : i32
    scf.for %scan3A_10 = %scan3A_5 to %scan3A_7 step %scan3A_8  : i32 {
      %mul3A_11 = arith.constant 1 : i32
      %mul3A_12 = arith.muli %scan3A_10, %mul3A_11 : i32
      %add3A = arith.constant 0 : i32
      %add3A_13 = arith.addi %add3A, %mul3A_12 : i32
      %dma_wait3A_14 = arith.constant 0 : i32
      %dma_wait3A_15 = arith.constant 0 : i32
      %dma_wait3A_16 = tpu.memref_slice %arg3[%dma_wait3A_14, %dma_wait3A_15] : memref<8192x64xbf16, #tpu.memory_space<hbm>> -> memref<8x64xbf16, #tpu.memory_space<hbm>>
      %dma_wait3A_17 = arith.constant 0 : i32
      %dma_wait3A_18 = arith.constant 0 : i32
      %dma_wait3A_19 = tpu.memref_slice %arg1[%dma_wait3A_17, %dma_wait3A_18] : memref<100000x64xbf16, #tpu.memory_space<hbm>> -> memref<8x64xbf16, #tpu.memory_space<hbm>>
      tpu.wait_dma2 semaphore(%arg5 : memref<!tpu.dma_semaphore, #tpu.memory_space<semaphore_mem>>) src(%dma_wait3A_19 : memref<8x64xbf16, #tpu.memory_space<hbm>>) dst(%dma_wait3A_16 : memref<8x64xbf16, #tpu.memory_space<hbm>>)
    }
    %scan3A_9 = arith.constant 512 : i32
    return
  }
}

module attributes {stable_mosaic.version = 14 : i64} {
  func.func @_tc_main_kernel(%arg0: i32, %arg1: memref<1024x64xf32, #tpu.memory_space<vmem>>, %arg2: memref<4000x64xbf16, #tpu.memory_space<vmem>>, %arg3: memref<1024x1xf32, #tpu.memory_space<vmem>>, %arg4: memref<1024x64xbf16, #tpu.memory_space<vmem>>) attributes {dimension_semantics = [#tpu.dimension_semantics<arbitrary>], iteration_bounds = array<i64: 25>, scalar_prefetch = 0 : i64, scratch_operands = 1 : i64, tpu.core_type = #tpu.core_type<tc>, window_params = [{pipeline_mode = #tpu.pipeline_mode<synchronous>, transform_indices = @transform_0, window_bounds = array<i64: 1024, 64>}, {transform_indices = @transform_1, window_bounds = array<i64: 4000, 64>}, {pipeline_mode = #tpu.pipeline_mode<synchronous>, transform_indices = @transform_2, window_bounds = array<i64: 1024, 1>}]} {
    %eq3A = arith.constant 0 : i32
    %eq3A_0 = arith.cmpi eq, %arg0, %eq3A : i32
    %convert_element_type3A = arith.extui %eq3A_0 : i1 to i32
    %cond3A = arith.constant 0 : i32
    %cond3A_1 = arith.cmpi ne, %convert_element_type3A, %cond3A : i32
    scf.if %cond3A_1 {
      %get3A_16 = arith.constant 0 : index
      %get3A_17 = arith.constant 0 : index
      %get3A_18 = vector.load %arg1[%get3A_16, %get3A_17] : memref<1024x64xf32, #tpu.memory_space<vmem>>, vector<1024x64xf32>
      %mul3A = arith.mulf %get3A_18, %get3A_18 : vector<1024x64xf32>
      %reduce_sum3A_19 = arith.constant dense<0.000000e+00> : vector<1024xf32>
      %reduce_sum3A_20 = vector.multi_reduction <add>, %mul3A, %reduce_sum3A_19 [1] : vector<1024x64xf32> to vector<1024xf32>
      %broadcast_in_dim3A_21 = vector.shape_cast %reduce_sum3A_20 : vector<1024xf32> to vector<1024x1xf32>
      %sqrt3A = math.sqrt %broadcast_in_dim3A_21 : vector<1024x1xf32>
      %max3A = arith.constant 9.99999996E-13 : f32
      %max3A_22 = vector.broadcast %max3A : f32 to vector<1024x1xf32>
      %max3A_23 = arith.maximumf %sqrt3A, %max3A_22 : vector<1024x1xf32>
      %div3A = vector.broadcast %max3A_23 : vector<1024x1xf32> to vector<1024x64xf32>
      %div3A_24 = arith.divf %get3A_18, %div3A : vector<1024x64xf32>
      %mul3A_25 = arith.constant 2.885390e+01 : f32
      %mul3A_26 = vector.broadcast %mul3A_25 : f32 to vector<1024x64xf32>
      %mul3A_27 = arith.mulf %div3A_24, %mul3A_26 : vector<1024x64xf32>
      %convert_element_type3A_28 = arith.truncf %mul3A_27 : vector<1024x64xf32> to vector<1024x64xbf16>
      %swap3A_29 = arith.constant 0 : index
      %swap3A_30 = arith.constant 0 : index
      %swap3A_31 = vector.load %arg4[%swap3A_29, %swap3A_30] : memref<1024x64xbf16, #tpu.memory_space<vmem>>, vector<1024x64xbf16>
      tpu.vector_store %arg4[%swap3A_29, %swap3A_30], %convert_element_type3A_28 {strides = array<i32>} : memref<1024x64xbf16, #tpu.memory_space<vmem>>, vector<1024x64xbf16>,
      %broadcast_in_dim3A_32 = arith.constant 0.000000e+00 : f32
      %broadcast_in_dim3A_33 = vector.broadcast %broadcast_in_dim3A_32 : f32 to vector<1024x1xf32>
      %swap3A_34 = arith.constant 0 : index
      %swap3A_35 = arith.constant 0 : index
      %swap3A_36 = vector.load %arg3[%swap3A_34, %swap3A_35] : memref<1024x1xf32, #tpu.memory_space<vmem>>, vector<1024x1xf32>
      tpu.vector_store %arg3[%swap3A_34, %swap3A_35], %broadcast_in_dim3A_33 {strides = array<i32>} : memref<1024x1xf32, #tpu.memory_space<vmem>>, vector<1024x1xf32>,
    } else {
    }
    %get3A = arith.constant 0 : index
    %get3A_2 = arith.constant 0 : index
    %get3A_3 = vector.load %arg4[%get3A, %get3A_2] : memref<1024x64xbf16, #tpu.memory_space<vmem>>, vector<1024x64xbf16>
    %get3A_4 = arith.constant 0 : index
    %get3A_5 = arith.constant 0 : index
    %get3A_6 = vector.load %arg2[%get3A_4, %get3A_5] : memref<4000x64xbf16, #tpu.memory_space<vmem>>, vector<4000x64xbf16>
    %dot_general3A = arith.constant dense<0.000000e+00> : vector<1024x4000xf32>
    %dot_general3A_7 = tpu.matmul %get3A_3, %get3A_6, %dot_general3A {dimension_numbers = #tpu.dot_dimension_numbers<[1], [1], [0], [0], [0, 0, 1, 0], [], []>, transpose_lhs_hint = false} : vector<1024x64xbf16>, vector<4000x64xbf16>, vector<1024x4000xf32> -> vector<1024x4000xf32>
    %get3A_8 = arith.constant 0 : index
    %get3A_9 = arith.constant 0 : index
    %get3A_10 = vector.load %arg3[%get3A_8, %get3A_9] : memref<1024x1xf32, #tpu.memory_space<vmem>>, vector<1024x1xf32>
    %sub3A = arith.constant 2.885390e+01 : f32
    %sub3A_11 = vector.broadcast %sub3A : f32 to vector<1024x4000xf32>
    %sub3A_12 = arith.subf %dot_general3A_7, %sub3A_11 : vector<1024x4000xf32>
    %exp23A = math.exp2 %sub3A_12 : vector<1024x4000xf32>
    %reduce_sum3A = arith.constant dense<0.000000e+00> : vector<1024xf32>
    %reduce_sum3A_13 = vector.multi_reduction <add>, %exp23A, %reduce_sum3A [1] : vector<1024x4000xf32> to vector<1024xf32>
    %broadcast_in_dim3A = vector.shape_cast %reduce_sum3A_13 : vector<1024xf32> to vector<1024x1xf32>
    %add3A = arith.addf %get3A_10, %broadcast_in_dim3A : vector<1024x1xf32>
    %swap3A = arith.constant 0 : index
    %swap3A_14 = arith.constant 0 : index
    %swap3A_15 = vector.load %arg3[%swap3A, %swap3A_14] : memref<1024x1xf32, #tpu.memory_space<vmem>>, vector<1024x1xf32>
    tpu.vector_store %arg3[%swap3A, %swap3A_14], %add3A {strides = array<i32>} : memref<1024x1xf32, #tpu.memory_space<vmem>>, vector<1024x1xf32>,
    return
  }
  func.func @transform_0(%arg0: i32) -> (i32, i32) {
    %c0_i32 = arith.constant 0 : i32
    %c0_i32_0 = arith.constant 0 : i32
    %c0_i32_1 = arith.constant 0 : i32
    return %c0_i32, %c0_i32_0 : i32, i32
  }
  func.func @transform_1(%arg0: i32) -> (i32, i32) {
    %c0_i32 = arith.constant 0 : i32
    %c0_i32_0 = arith.constant 0 : i32
    return %arg0, %c0_i32 : i32, i32
  }
  func.func @transform_2(%arg0: i32) -> (i32, i32) {
    %c0_i32 = arith.constant 0 : i32
    %c0_i32_0 = arith.constant 0 : i32
    %c0_i32_1 = arith.constant 0 : i32
    return %c0_i32, %c0_i32_0 : i32, i32
  }
}

module attributes {stable_mosaic.version = 14 : i64} {
  func.func @_tc_combine_kernel(%arg0: memref<1024x64xf32, #tpu.memory_space<vmem>>, %arg1: memref<8192x64xbf16, #tpu.memory_space<vmem>>, %arg2: memref<1024xi32, #tpu.memory_space<vmem>>, %arg3: memref<1024x1xf32, #tpu.memory_space<vmem>>, %arg4: memref<1x1xf32, #tpu.memory_space<smem>>) attributes {dimension_semantics = [], scalar_prefetch = 0 : i64, scratch_operands = 0 : i64, tpu.core_type = #tpu.core_type<tc>} {
    %get3A = arith.constant 0 : index
    %get3A_0 = arith.constant 0 : index
    %get3A_1 = vector.load %arg0[%get3A, %get3A_0] : memref<1024x64xf32, #tpu.memory_space<vmem>>, vector<1024x64xf32>
    %mul3A = arith.mulf %get3A_1, %get3A_1 : vector<1024x64xf32>
    %reduce_sum3A = arith.constant dense<0.000000e+00> : vector<1024xf32>
    %reduce_sum3A_2 = vector.multi_reduction <add>, %mul3A, %reduce_sum3A [1] : vector<1024x64xf32> to vector<1024xf32>
    %broadcast_in_dim3A = vector.shape_cast %reduce_sum3A_2 : vector<1024xf32> to vector<1024x1xf32>
    %sqrt3A = math.sqrt %broadcast_in_dim3A : vector<1024x1xf32>
    %max3A = arith.constant 9.99999996E-13 : f32
    %max3A_3 = vector.broadcast %max3A : f32 to vector<1024x1xf32>
    %max3A_4 = arith.maximumf %sqrt3A, %max3A_3 : vector<1024x1xf32>
    %div3A = vector.broadcast %max3A_4 : vector<1024x1xf32> to vector<1024x64xf32>
    %div3A_5 = arith.divf %get3A_1, %div3A : vector<1024x64xf32>
    %get3A_6 = arith.constant 0 : index
    %get3A_7 = arith.constant 0 : index
    %get3A_8 = vector.load %arg1[%get3A_6, %get3A_7] : memref<8192x64xbf16, #tpu.memory_space<vmem>>, vector<8192x64xbf16>
    %convert_element_type3A = arith.extf %get3A_8 : vector<8192x64xbf16> to vector<8192x64xf32>
    %reshape3A = vector.shape_cast %convert_element_type3A : vector<8192x64xf32> to vector<1024x8x64xf32>
    %get3A_9 = arith.constant 0 : index
    %get3A_10 = vector.load %arg2[%get3A_9] : memref<1024xi32, #tpu.memory_space<vmem>>, vector<1024xi32>
    %and3A = arith.constant 7 : i32
    %and3A_11 = vector.broadcast %and3A : i32 to vector<1024xi32>
    %and3A_12 = arith.andi %get3A_10, %and3A_11 : vector<1024xi32>
    %reshape3A_13 = vector.shape_cast %and3A_12 : vector<1024xi32> to vector<1024x1x1xi32>
    %iota3A = tpu.iota {dimensions = array<i32: 1>} : vector<1024x8x1xi32>
    %eq3A = vector.broadcast %reshape3A_13 : vector<1024x1x1xi32> to vector<1024x8x1xi32>
    %eq3A_14 = arith.cmpi eq, %iota3A, %eq3A : vector<1024x8x1xi32>
    %jit3A = arith.constant 0.000000e+00 : f32
    %broadcast_in_dim3A_15 = vector.shape_cast %eq3A_14 : vector<1024x8x1xi1> to vector<1024x8x1xi1>
    %broadcast_in_dim3A_16 = vector.broadcast %broadcast_in_dim3A_15 : vector<1024x8x1xi1> to vector<1024x8x64xi1>
    %broadcast_in_dim3A_17 = vector.broadcast %jit3A : f32 to vector<1024x8x64xf32>
    %select_n3A = arith.select %broadcast_in_dim3A_16, %reshape3A, %broadcast_in_dim3A_17 : vector<1024x8x64xi1>, vector<1024x8x64xf32>
    %reduce_sum3A_18 = arith.constant dense<0.000000e+00> : vector<1024x64xf32>
    %reduce_sum3A_19 = vector.multi_reduction <add>, %select_n3A, %reduce_sum3A_18 [1] : vector<1024x8x64xf32> to vector<1024x64xf32>
    %mul3A_20 = arith.mulf %div3A_5, %reduce_sum3A_19 : vector<1024x64xf32>
    %reduce_sum3A_21 = arith.constant dense<0.000000e+00> : vector<1024xf32>
    %reduce_sum3A_22 = vector.multi_reduction <add>, %mul3A_20, %reduce_sum3A_21 [1] : vector<1024x64xf32> to vector<1024xf32>
    %broadcast_in_dim3A_23 = vector.shape_cast %reduce_sum3A_22 : vector<1024xf32> to vector<1024x1xf32>
    %mul3A_24 = arith.constant 2.000000e+01 : f32
    %mul3A_25 = vector.broadcast %mul3A_24 : f32 to vector<1024x1xf32>
    %mul3A_26 = arith.mulf %broadcast_in_dim3A_23, %mul3A_25 : vector<1024x1xf32>
    %get3A_27 = arith.constant 0 : index
    %get3A_28 = arith.constant 0 : index
    %get3A_29 = vector.load %arg3[%get3A_27, %get3A_28] : memref<1024x1xf32, #tpu.memory_space<vmem>>, vector<1024x1xf32>
    %log3A = math.log %get3A_29 : vector<1024x1xf32>
    %add3A = arith.constant 2.000000e+01 : f32
    %add3A_30 = vector.broadcast %add3A : f32 to vector<1024x1xf32>
    %add3A_31 = arith.addf %add3A_30, %log3A : vector<1024x1xf32>
    %sub3A = arith.subf %add3A_31, %mul3A_26 : vector<1024x1xf32>
    %reduce_sum3A_32 = vector.shape_cast %sub3A : vector<1024x1xf32> to vector<1x1024x1xf32>
    %reduce_sum3A_33 = arith.constant dense<0.000000e+00> : vector<1xf32>
    %reduce_sum3A_34 = vector.multi_reduction <add>, %reduce_sum3A_32, %reduce_sum3A_33 [1, 2] : vector<1x1024x1xf32> to vector<1xf32>
    %reduce_sum3A_35 = vector.shape_cast %reduce_sum3A_34 : vector<1xf32> to vector<1x1x1xf32>
    %reduce_sum3A_36 = vector.extract %reduce_sum3A_35[0, 0, 0] : f32 from vector<1x1x1xf32>
    %mul3A_37 = arith.constant 9.765625E-4 : f32
    %mul3A_38 = arith.mulf %reduce_sum3A_36, %mul3A_37 : f32
    %swap3A = arith.constant 0 : index
    %swap3A_39 = arith.constant 0 : index
    %swap3A_40 = memref.load %arg4[%swap3A, %swap3A_39] : memref<1x1xf32, #tpu.memory_space<smem>>
    memref.store %mul3A_38, %arg4[%swap3A, %swap3A_39] : memref<1x1xf32, #tpu.memory_space<smem>>
    return
  }
}

</mosaic_0001>

<sc_bundles>
// kernel: kernel.5.cloned.1.call-start
scs
__scs_entry_jumppad:
0x0: {  	(pc) =	sbr.rel $0x88, $3  }
0x1: {  	(tag) =	ssettag $0x0;
	lr =	simm.s32 $0x1  }
0x2: {  	[smem:$0x3F9E] =	sst lr;
	_ =	strace $0xD0000000  }
0x3: {  	_ = 	snop  }
0x4: {  	_ = 	snop  }
0x5: {  	_ = 	snop  }
0x6: {  	_ = 	snop  }
0x7: {  	_ = 	snop  }
__scs_overlays_trampoline_lowered:
0x8: {  	[smem:$0x3FAD] =	sst s0  }
0x9: {  	[smem:$0x3FAE] =	sst s1  }
0xa: {  	[smem:$0x3FAF] =	sst s2  }
0xb: {  	[smem:$0x3FB0] =	sst s3  }
0xc: {  	[smem:$0x3FB1] =	sst s4  }
0xd: {  	[smem:$0x3FB2] =	sst s5  }
0xe: {  	[smem:$0x3FB3] =	sst s6  }
0xf: {  	[smem:$0x3FB4] =	sst s7  }
0x10: {  	[smem:$0x3FB5] =	sst s8  }
0x11: {  	[smem:$0x3FB6] =	sst s9;
	s0 =	simm.s32 @!p0 $0x0  }
0x12: {  	s1 =	sld [smem:$0x3F9C];
	s0 =	simm.s32 @p0 $0x1  }
0x13: {  	[smem:$0x3FB7] =	sst s0;
	s0 =	simm.s32 @!p1 $0x0  }
0x14: {  	s2 =	sld [smem:$0x3F9B];
	s0 =	simm.s32 @p1 $0x1  }
0x15: {  	[smem:$0x3FB8] =	sst s0;
	s0 =	simm.s32 @!p2 $0x0  }
0x16: {  	s3 =	sld [smem:$0x3FDB];
	s0 =	simm.s32 @p2 $0x1  }
0x17: {  	s4 =	simm.s32 $0x1BF5;
	[smem:$0x3FBA] =	sst s0  }
0x18: {  	s0 =	sld [smem:$0x3F9D];
	_ =	swait.ge [sflag:s4], $0x0  }
0x19: {  	s7 =	sld [smem:$0x3F9E]  }
0x1a: {  	s8 =	sadd.s32 $0xFFFFE003, lr  }
0x1b: {  	s9 =	sadd.s32 $0xFFFFFEF7, lr;
	s5 =	simm.s32 $0xFFFFFFFF;
	p2 =	slt.u32 s8, $0xFFFFF086  }
0x1c: {  	p1 =	slt.u32 s9, $0xF7A;
	s5 =	simm.s32 @!p2 $0x0  }
0x1d: {  	s5 =	simm.s32 @p1 $0x1;
	p0 =	seq.s32 s7, s2  }
0x1e: {  	s7 =	smul.u32 @!p0 $0xF7A, s2;
	p2 =	seq.s32 @!p0 s5, $0x0  }
0x1f: {  	s9 =	smul.u32 $0xF7A, s1;
	s8 =	simm.s32 @!p0 $0x1BF5;
	p2 =	por !p2, p0  }
0x20: {  	[sflag:s8] =	ssyncset.s32 @!p0 $0xFFFFF086;
	s6 =	sadd.s32 @!p0 s3, s7;
	s7 =	simm.s32 @!p0 $0x108  }
0x21: {  	s3 =	sadd.s32 s3, s9;
	s6 =	sadd.s32 @!p0 $0x88, s6;
	s7 =	simm.s32 @p2 $0x1082  }
0x22: {  	[simem:s7], [sflag:s8] =	dma.local @!p0 [hbm:s6], $0xF7A  }
0x23: {  	s9 =	sor.u32 $0xD0000000, s2;
	s6 =	simm.s32 $0x108;
	_ =	swait.ge @!p0 [sflag:s8], $0x0  }
0x24: {  	s3 =	sadd.s32 $0x88, s3;
	s6 =	simm.s32 @!p1 $0x1082;
	[sflag:s4] =	ssyncset.s32 $0xFFFFF086  }
0x25: {  	[simem:s6], [sflag:s4] =	dma.local [hbm:s3], $0xF7A  }
0x26: {  	[smem:$0x3F9E] =	sst s1;
	(tag) =	ssettag s2;
	_ =	strace s9  }
0x27: {  	s1 =	sld [smem:$0x3FAE]  }
0x28: {  	s2 =	sld [smem:$0x3FAF]  }
0x29: {  	s4 =	sld [smem:$0x3FB1]  }
0x2a: {  	p0 =	seq.s32 s5, $0x0;
	s5 =	sld [smem:$0x3FB2]  }
0x2b: {  	s6 =	sld [smem:$0x3FB3]  }
0x2c: {  	s7 =	sld [smem:$0x3FB4]  }
0x2d: {  	s3 =	simm.s32 $0x108;
	s8 =	sld [smem:$0x3FB5]  }
0x2e: {  	s3 =	simm.s32 @!p0 $0x1082;
	s9 =	sld [smem:$0x3FB6]  }
0x2f: {  	lr =	sadd.s32 s0, s3;
	s0 =	sld [smem:$0x3FAD]  }
0x30: {  	s3 =	sld [smem:$0x3FB0]  }
0x31: {  	[smem:$0x3FB9] =	sst s10  }
0x32: {  	s10 =	sld [smem:$0x3FB7];
	_ =	sdelay $0x3  }
0x33: {  	p0 =	seq.s32 s10, $0x1;
	s10 =	sld [smem:$0x3FB9];
	_ =	sdelay $0x3  }
0x34: {  	[smem:$0x3FB9] =	sst s10  }
0x35: {  	s10 =	sld [smem:$0x3FB8];
	_ =	sdelay $0x3  }
0x36: {  	p1 =	seq.s32 s10, $0x1;
	s10 =	sld [smem:$0x3FB9];
	_ =	sdelay $0x3  }
0x37: {  	[smem:$0x3FB9] =	sst s10  }
0x38: {  	s10 =	sld [smem:$0x3FBA]  }
0x39: {  	_ = 	snop;
	(pc) =	sbr.ind lr, $3  }
0x3a: {  	_ = 	snop  }
0x3b: {  	_ = 	snop  }
0x3c: {  	p2 =	seq.s32 s10, $0x1;
	s10 =	sld [smem:$0x3FB9]  }
0x3d: {  	_ =	shalt  }
0x3e: {  	_ =	shalt  }
0x3f: {  	_ =	shalt  }
0x40: {  	_ =	shalt  }
0x41: {  	_ =	shalt  }
0x42: {  	_ =	shalt  }
0x43: {  	_ =	shalt  }
0x44: {  	_ =	shalt  }
0x45: {  	_ =	shalt  }
0x46: {  	_ =	shalt  }
0x47: {  	_ =	shalt  }
0x48: {  	_ =	shalt  }
0x49: {  	_ =	shalt  }
0x4a: {  	_ =	shalt  }
0x4b: {  	_ =	shalt  }
0x4c: {  	_ =	shalt  }
0x4d: {  	_ =	shalt  }
0x4e: {  	_ =	shalt  }
0x4f: {  	_ =	shalt  }
0x50: {  	_ =	shalt  }
0x51: {  	_ =	shalt  }
0x52: {  	_ =	shalt  }
0x53: {  	_ =	shalt  }
0x54: {  	_ =	shalt  }
0x55: {  	_ =	shalt  }
0x56: {  	_ =	shalt  }
0x57: {  	_ =	shalt  }
0x58: {  	_ =	shalt  }
0x59: {  	_ =	shalt  }
0x5a: {  	_ =	shalt  }
0x5b: {  	_ =	shalt  }
0x5c: {  	_ =	shalt  }
0x5d: {  	_ =	shalt  }
0x5e: {  	_ =	shalt  }
0x5f: {  	_ =	shalt  }
0x60: {  	_ =	shalt  }
0x61: {  	_ =	shalt  }
0x62: {  	_ =	shalt  }
0x63: {  	_ =	shalt  }
0x64: {  	_ =	shalt  }
0x65: {  	_ =	shalt  }
0x66: {  	_ =	shalt  }
0x67: {  	_ =	shalt  }
0x68: {  	_ =	shalt  }
0x69: {  	_ =	shalt  }
0x6a: {  	_ =	shalt  }
0x6b: {  	_ =	shalt  }
0x6c: {  	_ =	shalt  }
0x6d: {  	_ =	shalt  }
0x6e: {  	_ =	shalt  }
0x6f: {  	_ =	shalt  }
0x70: {  	_ =	shalt  }
0x71: {  	_ =	shalt  }
0x72: {  	_ =	shalt  }
0x73: {  	_ =	shalt  }
0x74: {  	_ =	shalt  }
0x75: {  	_ =	shalt  }
0x76: {  	_ =	shalt  }
0x77: {  	_ =	shalt  }
0x78: {  	_ =	shalt  }
0x79: {  	_ =	shalt  }
0x7a: {  	_ =	shalt  }
0x7b: {  	_ =	shalt  }
0x7c: {  	_ =	shalt  }
0x7d: {  	_ =	shalt  }
0x7e: {  	_ =	shalt  }
0x7f: {  	_ =	shalt  }
0x80: {  	_ =	shalt  }
0x81: {  	_ =	shalt  }
0x82: {  	_ =	shalt  }
0x83: {  	_ =	shalt  }
0x84: {  	_ =	shalt  }
0x85: {  	_ =	shalt  }
0x86: {  	_ =	shalt  }
0x87: {  	_ =	shalt  }
.Lfunc_end0:
.L_simem_size_0:
called_computation_lowered:
.L_overlay_start_0:
0x88: {  	s2 =	sld [smem:$0x3FD9]  }
0x89: {  	s3 =	sld [smem:$0x3FFE];
	_ =	sdelay $0x1  }
0x8a: {  	s1 =	srdreg.scid  }
0x8b: {  	s0 =	sand.u32 $0x1, s1  }
0x8c: {  	s22 =	sshll.u32 s0, $0xA;
	s2 =	sadd.s32 s3, s2  }
0x8d: {  	s2 =	sadd.s32 s2, s22  }
0x8e: {  	s23 =	simm.s32 $0x0;
	[smem:$0x3FC5] =	sst s2  }
0x8f: {  	[smem:$0xF] =	sst s23  }
0x90: {  	s2 =	sld [smem:$0x3FC8];
	(tm) =	ssettm $0x1  }
0x91: {  	s24 =	sld [smem:$0x3FFB];
	_ =	sdelay $0x3  }
0x92: {  	_ =	strace s24  }
0x93: {  	s3 =	sld [smem:$0x3FFC];
	_ =	sdelay $0x3  }
0x94: {  	_ =	strace s3  }
0x95: {  	s3 =	sld [smem:$0x3FFD];
	_ =	sdelay $0x3  }
0x96: {  	_ =	strace s3  }
0x97: {  	s25 =	simm.s32 $0x1B8B;
	_ =	strace $0x8FFFFFFF  }
0x98: {  	_ =	swait.ge [sflag:s25], $0x1  }
0x99: {  	[sflag:s25] =	ssyncset.done $0x0  }
0x9a: {  	s26 =	simm.s32 $0x1B8E;
	s28 =	sshll.u32 s0, $0x6;
	[sflag:s25] =	ssyncadd.s32 $0xFFFFFFFF  }
0x9b: {  	s5 =	simm.s32 $0x10;
	s3 =	sadd.s32 s28, s2;
	[smem:$0x3FD2] =	sst s26  }
0x9c: {  	s2 =	simm.s32 $0x9;
	s4 =	sld [smem:$0x3FFE];
	_ =	strace $0x80000046  }
0x9d: {  	[smem:s5], [sflag:s2] =	dma.local [hbm:s3], $0x40  }
0x9e: {  	_ =	swait.ge [sflag:s2], $0x40  }
0x9f: {  	[sflag:s2] =	ssyncset.done $0x0  }
0xa0: {  	[sflag:s2] =	ssyncadd.s32 $0xFFFFFFC0  }
0xa1: {  	s29 =	sld [smem:$0x10];
	_ =	sdelay $0x3  }
0xa2: {  	s30 =	sshll.u32 s0, $0xF;
	s6 =	sshll.u32 s29, $0x3  }
0xa3: {  	s3 =	sadd.s32 $0xA00, s4;
	s4 =	sadd.s32 s30, s4;
	s31 =	sand.u32 $0x7FFFFC0, s6  }
0xa4: {  	s4 =	sadd.s32 $0xC4000, s4;
	s5 =	sadd.s32 s3, s31  }
0xa5: {  	[hbm:s4], [sflag:s2] =	dma.local [hbm:s5], $0x40  }
0xa6: {  	s5 =	simm.s32 $0x8;
	s6 =	sld [smem:$0x11]  }
.LBB1_1:
0xa7: {  	p0 =	sne.s32 s5, $0x7FC;
	_ =	sdelay $0x2  }
0xa8: {  	s6 =	sshll.u32 s6, $0x3  }
.Ltmp0:
0xa9: {  	s6 =	sand.u32 $0x7FFFFC0, s6;
	(pc) =	sbr.rel @p0 .LBB1_1-.Ltmp0, $3  }
0xaa: {  	s7 =	sshra.s32 s5, $0x2;
	s4 =	sadd.s32 $0x40, s4;
	s6 =	sadd.s32 s3, s6  }
0xab: {  	[hbm:s4], [sflag:s2] =	dma.local [hbm:s6], $0x40  }
0xac: {  	s5 =	sadd.s32 $0x4, s5;
	s6 =	sld [smem:s7+$0x10]  }
0xad: {  	_ =	sdelay $0x2  }
0xae: {  	s5 =	sshll.u32 s6, $0x3  }
0xaf: {  	s5 =	sand.u32 $0x7FFFFC0, s5  }
0xb0: {  	s4 =	sadd.s32 $0x40, s4;
	s3 =	sadd.s32 s3, s5  }
0xb1: {  	[hbm:s4], [sflag:s2] =	dma.local [hbm:s3], $0x40  }
0xb2: {  	s2 =	simm.s32 $0x9  }
0xb3: {  	_ =	swait.ge [sflag:s2], $0x40  }
0xb4: {  	s3 =	simm.s32 $0x1FF;
	[sflag:s2] =	ssyncset.done $0x0  }
.LBB1_3:
0xb5: {  	p0 =	sne.s32 s3, $0x1;
	s3 =	sadd.s32 $0xFFFFFFFF, s3;
	[sflag:s2] =	ssyncadd.s32 $0xFFFFFFC0  }
.Ltmp1:
0xb6: {  	(pc) =	sbr.rel @p0 .LBB1_3-.Ltmp1, $3  }
0xb7: {  	_ = 	snop  }
0xb8: {  	_ =	swait.ge [sflag:s2], $0x40  }
0xb9: {  	[sflag:s2] =	ssyncset.done $0x0  }
0xba: {  	[sflag:s2] =	ssyncadd.s32 $0xFFFFFFC0  }
0xbb: {  	_ =	strace $0x90000046  }
0xbc: {  	_ =	sfence  }
0xbd: {  	s30 =	sld [smem:$0x0];
	_ =	sdelay $0x2  }
0xbe: {  	s3 =	sshll.u32 s1, $0xD;
	s31 =	sshrl.u32 s1, $0x2  }
0xbf: {  	s3 =	sand.u32 $0x4000, s3;
	s1 =	sadd.s32 s31, s30  }
0xc0: {  	s0 =	sor.u32 s3, s0;
	s1 =	sshll.u32 s1, $0x11  }
0xc1: {  	s0 =	sor.u32 s1, s0  }
0xc2: {  	s0 =	sadd.s32 $0x8F2B, s0;
	(pc) =	sbr.abs _section_cstart, $3  }
0xc3: {  	[sflag:s0] =	ssyncadd.remote.s32 $0x1  }
0xc4: {  	_ =	strace $0x9FFFFFFF  }
0xc5: {  	(tm) =	ssettm $0x7FFFFFFF  }

</sc_bundles>
